<compile_context>
chip_gen: v7x
topology: tpu7x:2x2x1
jax: 0.10.2.dev20260603
libtpu: 0.0.44.dev20260713+nightly
codegen_flags: <defaults>
</compile_context>

<pallas_src>
import functools

import jax
import jax.numpy as jnp
from jax import lax
from jax.experimental import pallas as pl
from jax.experimental.pallas import tpu as pltpu
from jax.experimental.pallas import tpu_sc as plsc

N_ROWS = 8192
K = 8192
D = 32
TILE = 512
GRID = N_ROWS // TILE
CHUNK = 2048

NW = 32
BPW = N_ROWS // NW


def _vq_tile_kernel(x_ref, x2_ref, e2_ref, embed_ref, idx_ref):
    x = x_ref[...]
    xe = jnp.dot(x, embed_ref[...], preferred_element_type=jnp.float32)
    scores = (x2_ref[...] - 2.0 * xe) + e2_ref[...]
    big = jnp.int32(2 ** 30)
    v = jnp.full((TILE, 1), jnp.inf, jnp.float32)
    idx = jnp.zeros((TILE, 1), jnp.int32)
    iota = lax.broadcasted_iota(jnp.int32, (TILE, K), 1)
    for c in range(K // CHUNK):
        chunk = scores[:, c * CHUNK:(c + 1) * CHUNK]
        mc = jnp.min(chunk, axis=1, keepdims=True)
        iota_c = iota[:, c * CHUNK:(c + 1) * CHUNK]
        ic = jnp.min(jnp.where(chunk == mc, iota_c, big), axis=1, keepdims=True)
        win = mc < v
        idx = jnp.where(win, ic, idx)
        v = jnp.where(win, mc, v)
        u = lax.bitcast_convert_type(v, jnp.uint32)
        u = (u + jnp.uint32(0x8000)) & jnp.uint32(0xFFFF0000)
        v = lax.bitcast_convert_type(u, jnp.float32)
    idx_ref[...] = idx


@functools.partial(
    pl.kernel,
    mesh=plsc.VectorSubcoreMesh(core_axis_name="c", subcore_axis_name="s"),
    compiler_params=pltpu.CompilerParams(use_tc_tiling_on_sc=False,
                                         needs_layout_passes=False),
    out_type=[
        jax.ShapeDtypeStruct((N_ROWS, D), jnp.float32),
        jax.ShapeDtypeStruct((NW, K), jnp.float32),
    ],
    scratch_types=[
        pltpu.VMEM((2, 128), jnp.int32),
        pltpu.VMEM((BPW, D), jnp.float32),
        pltpu.VMEM((K,), jnp.float32),
        pltpu.SemaphoreType.DMA,
    ],
)
def _sc_gather_hist(table_hbm, idx_hbm, zeros_hbm, out_hbm, hist_hbm,
                    idx_v, rows_v, hist_v, sem):
    wid = lax.axis_index("s") * 2 + lax.axis_index("c")
    pltpu.sync_copy(idx_hbm.at[pl.ds(wid * 2, 2)], idx_v)
    pltpu.sync_copy(zeros_hbm, hist_v)
    pltpu.async_copy(table_hbm.at[idx_v.at[0]], rows_v.at[pl.ds(0, 128)],
                     sem).wait()
    pltpu.async_copy(table_hbm.at[idx_v.at[1]], rows_v.at[pl.ds(128, 128)],
                     sem).wait()
    ones = jnp.ones((16,), jnp.float32)
    for r in range(2):
        for j in range(128 // 16):
            iv = idx_v[r, pl.ds(j * 16, 16)]
            plsc.addupdate_scatter(hist_v, [iv], ones)
    pltpu.sync_copy(rows_v, out_hbm.at[pl.ds(wid * BPW, BPW)])
    pltpu.sync_copy(hist_v, hist_hbm.at[wid])


def _finish_kernel(x_ref, q_ref, hists_ref, qst_ref, diff_ref, ppl_ref):
    x = x_ref[...]
    q = q_ref[...]
    d = q - x
    qst_ref[...] = x + d
    diff_ref[...] = (jnp.sum(d * d) / (N_ROWS * D)).reshape(1, 1)
    counts = jnp.sum(hists_ref[...], axis=0, keepdims=True)
    p = counts * (1.0 / N_ROWS)
    ent = jnp.sum(p * jnp.log(p + 1e-10))
    ppl_ref[...] = jnp.exp(-ent).reshape(1, 1)


def kernel(x, embed):
    x_flat = x.reshape(-1, D)
    x2 = (x_flat ** 2).sum(axis=1, keepdims=True)
    e2 = (embed ** 2).sum(axis=0, keepdims=True)
    embed_t = embed.T
    zeros_k = jnp.zeros((K,), jnp.float32)

    idx2 = pl.pallas_call(
        _vq_tile_kernel,
        grid=(GRID,),
        in_specs=[
            pl.BlockSpec((TILE, D), lambda i: (i, 0)),
            pl.BlockSpec((TILE, 1), lambda i: (i, 0)),
            pl.BlockSpec((1, K), lambda i: (0, 0)),
            pl.BlockSpec((D, K), lambda i: (0, 0)),
        ],
        out_specs=pl.BlockSpec((TILE, 1), lambda i: (i, 0)),
        out_shape=jax.ShapeDtypeStruct((N_ROWS, 1), jnp.int32),
    )(x_flat, x2, e2, embed)

    quant, hists = _sc_gather_hist(embed_t, idx2.reshape(NW * 2, 128), zeros_k)

    qst, diff, ppl = pl.pallas_call(
        _finish_kernel,
        out_shape=[
            jax.ShapeDtypeStruct((N_ROWS, D), jnp.float32),
            jax.ShapeDtypeStruct((1, 1), jnp.float32),
            jax.ShapeDtypeStruct((1, 1), jnp.float32),
        ],
    )(x_flat, quant, hists)

    quantized_st = qst.reshape(x.shape)
    encoding_inds = idx2.reshape(x.shape[:-1])
    return (quantized_st, diff.reshape(()), encoding_inds, ppl.reshape(()))

# --- scband reference (transcript-rebuilt; emitter-appended) ---
"""Pipeline reference for scband-vector-quantizer-20409684591296 (READ-ONLY COPY).

The authoritative reference and input builder live on the scoring server;
editing this copy changes nothing except your own understanding.
"""

import jax, jax.numpy as jnp
import numpy as np

NUM_EMBED = 8192
EMBED_DIM = 32


def setup_inputs(seed: int = 0) -> dict:
    key = jax.random.key(seed)
    k1, k2 = jax.random.split(key)
    x = jax.random.normal(k1, (8, 32, 32, EMBED_DIM), dtype=jnp.float32)
    # buffer 'embed' of shape (embed_dim, num_embed), uniform(-1/K, 1/K)
    embed = jax.random.uniform(
        k2, (EMBED_DIM, NUM_EMBED),
        minval=-1.0 / NUM_EMBED, maxval=1.0 / NUM_EMBED, dtype=jnp.float32
    )
    return {"x": x, "embed": embed}


def reference(x, embed):
    embed_dim = embed.shape[0]
    num_embed = embed.shape[1]
    x_flat = x.reshape(-1, embed_dim)
    dists = (
        (x_flat ** 2).sum(axis=1, keepdims=True)
        - 2.0 * (x_flat @ embed)
        + (embed ** 2).sum(axis=0, keepdims=True)
    )
    encoding_inds_flat = jnp.argmin(dists, axis=-1)
    encodings = jax.nn.one_hot(encoding_inds_flat, num_embed, dtype=x_flat.dtype)
    encoding_inds = encoding_inds_flat.reshape(x.shape[:-1])
    # quantize: F.embedding(embed_ind, embed.T) -> gather rows of embed.T
    quantized = jnp.take(embed.T, encoding_inds, axis=0)
    # EMA buffer updates in torch happen under no_grad and do NOT affect the
    # outputs of this same forward call (quantized was gathered before the
    # update), so they are omitted here.
    diff = jnp.mean((jax.lax.stop_gradient(quantized) - x) ** 2)
    quantized_st = x + jax.lax.stop_gradient(quantized - x)
    avg_probs = encodings.mean(axis=0)
    perplexity = jnp.exp(-jnp.sum(avg_probs * jnp.log(avg_probs + 1e-10)))
    return (quantized_st, diff, encoding_inds, perplexity)

if __name__ == "__main__":
    import jax
    _d = setup_inputs()
    print(jax.jit(kernel)(*tuple(_d.values())))

</pallas_src>

<mosaic_0001>
#map = affine_map<(d0, d1) -> (0, 0)>
#map1 = affine_map<(d0, d1) -> (0)>
module attributes {stable_mosaic.version = 14 : i64} {
  func.func @_sc_gather_hist(%arg0: i32, %arg1: i32, %arg2: memref<8192x32xf32, #tpu.memory_space<hbm>>, %arg3: memref<64x128xi32, #tpu.memory_space<hbm>>, %arg4: memref<8192xf32, #tpu.memory_space<hbm>>, %arg5: memref<8192x32xf32, #tpu.memory_space<hbm>>, %arg6: memref<32x8192xf32, #tpu.memory_space<hbm>>, %arg7: memref<2x128xi32, #tpu.memory_space<vmem>>, %arg8: memref<256x32xf32, #tpu.memory_space<vmem>>, %arg9: memref<8192xf32, #tpu.memory_space<vmem>>, %arg10: memref<!tpu.dma_semaphore, #tpu.memory_space<semaphore_mem>>) attributes {dimension_semantics = [#tpu.dimension_semantics<core_parallel>, #tpu.dimension_semantics<subcore_parallel>], iteration_bounds = array<i64: 2, 16>, scalar_prefetch = 0 : i64, scratch_operands = 4 : i64, tpu.core_type = #tpu.core_type<sc_vector_subcore>, window_params = [{transform_indices = #map}, {transform_indices = #map}, {transform_indices = #map1}, {transform_indices = #map}, {transform_indices = #map}]} {
    %mul3A = arith.constant 2 : i32
    %mul3A_0 = arith.muli %arg1, %mul3A : i32
    %add3A = arith.addi %mul3A_0, %arg0 : i32
    %mul3A_1 = arith.constant 2 : i32
    %mul3A_2 = arith.muli %add3A, %mul3A_1 : i32
    "tpu.region"() ({
      %run_scoped3A = tpu.sem_alloc : memref<!tpu.dma_semaphore, #tpu.memory_space<semaphore_mem>>
      %dma_start3A_107 = arith.constant 0 : i32
      %dma_start3A_108 = tpu.memref_slice %arg3[%mul3A_2, %dma_start3A_107] : memref<64x128xi32, #tpu.memory_space<hbm>> -> memref<2x128xi32, #tpu.memory_space<hbm>>
      %dma_start3A_109 = arith.constant 0 : i32
      %dma_start3A_110 = tpu.memref_slice %arg3[%mul3A_2, %dma_start3A_109] : memref<64x128xi32, #tpu.memory_space<hbm>> -> memref<2x128xi32, #tpu.memory_space<hbm>>
      tpu.enqueue_dma source(%dma_start3A_110 : memref<2x128xi32, #tpu.memory_space<hbm>>) target(%arg7 : memref<2x128xi32, #tpu.memory_space<vmem>>) target_semaphore(%run_scoped3A : memref<!tpu.dma_semaphore, #tpu.memory_space<semaphore_mem>>)
      %dma_wait3A_111 = arith.constant 0 : i32
      %dma_wait3A_112 = tpu.memref_slice %arg3[%mul3A_2, %dma_wait3A_111] : memref<64x128xi32, #tpu.memory_space<hbm>> -> memref<2x128xi32, #tpu.memory_space<hbm>>
      %dma_wait3A_113 = arith.constant 0 : i32
      %dma_wait3A_114 = tpu.memref_slice %arg3[%mul3A_2, %dma_wait3A_113] : memref<64x128xi32, #tpu.memory_space<hbm>> -> memref<2x128xi32, #tpu.memory_space<hbm>>
      tpu.wait_dma2 semaphore(%run_scoped3A : memref<!tpu.dma_semaphore, #tpu.memory_space<semaphore_mem>>) src(%dma_wait3A_114 : memref<2x128xi32, #tpu.memory_space<hbm>>) dst(%arg7 : memref<2x128xi32, #tpu.memory_space<vmem>>)
      tpu.yield
    }) : () -> ()
    "tpu.region"() ({
      %run_scoped3A = tpu.sem_alloc : memref<!tpu.dma_semaphore, #tpu.memory_space<semaphore_mem>>
      tpu.enqueue_dma source(%arg4 : memref<8192xf32, #tpu.memory_space<hbm>>) target(%arg9 : memref<8192xf32, #tpu.memory_space<vmem>>) target_semaphore(%run_scoped3A : memref<!tpu.dma_semaphore, #tpu.memory_space<semaphore_mem>>)
      tpu.wait_dma2 semaphore(%run_scoped3A : memref<!tpu.dma_semaphore, #tpu.memory_space<semaphore_mem>>) src(%arg4 : memref<8192xf32, #tpu.memory_space<hbm>>) dst(%arg9 : memref<8192xf32, #tpu.memory_space<vmem>>)
      tpu.yield
    }) : () -> ()
    %dma_start3A = arith.constant 0 : i32
    %dma_start3A_3 = arith.constant 0 : i32
    %dma_start3A_4 = arith.constant 0 : i32
    %dma_start3A_5 = tpu.memref_slice %arg8[%dma_start3A_3, %dma_start3A_4] : memref<256x32xf32, #tpu.memory_space<vmem>> -> memref<128x32xf32, #tpu.memory_space<vmem>>
    %dma_start3A_6 = arith.constant 0 : i32
    %dma_start3A_7 = tpu.memref_slice %arg7[%dma_start3A, %dma_start3A_6] : memref<2x128xi32, #tpu.memory_space<vmem>> -> memref<1x128xi32, #tpu.memory_space<vmem>>
    %dma_start3A_8 = tpu.memref_squeeze %dma_start3A_7 : memref<1x128xi32, #tpu.memory_space<vmem>> -> memref<128xi32, #tpu.memory_space<vmem>>
    %dma_start3A_9 = arith.constant 0 : i32
    %dma_start3A_10 = arith.constant 0 : i32
    %dma_start3A_11 = tpu.memref_slice %arg2[%dma_start3A_9, %dma_start3A_10] : memref<8192x32xf32, #tpu.memory_space<hbm>> -> memref<8192x32xf32, #tpu.memory_space<hbm>>
    tpu.enqueue_indirect_dma source(%dma_start3A_11 : memref<8192x32xf32, #tpu.memory_space<hbm>>) target(%dma_start3A_5 : memref<128x32xf32, #tpu.memory_space<vmem>>) offsets(%dma_start3A_8 : memref<128xi32, #tpu.memory_space<vmem>>) semaphore(%arg10 : memref<!tpu.dma_semaphore, #tpu.memory_space<semaphore_mem>>)
    %dma_wait3A = arith.constant 0 : i32
    %dma_wait3A_12 = arith.constant 0 : i32
    %dma_wait3A_13 = arith.constant 0 : i32
    %dma_wait3A_14 = tpu.memref_slice %arg8[%dma_wait3A_12, %dma_wait3A_13] : memref<256x32xf32, #tpu.memory_space<vmem>> -> memref<128x32xf32, #tpu.memory_space<vmem>>
    %dma_wait3A_15 = arith.constant 0 : i32
    %dma_wait3A_16 = tpu.memref_slice %arg7[%dma_wait3A, %dma_wait3A_15] : memref<2x128xi32, #tpu.memory_space<vmem>> -> memref<1x128xi32, #tpu.memory_space<vmem>>
    %dma_wait3A_17 = tpu.memref_squeeze %dma_wait3A_16 : memref<1x128xi32, #tpu.memory_space<vmem>> -> memref<128xi32, #tpu.memory_space<vmem>>
    %dma_wait3A_18 = arith.constant 0 : i32
    %dma_wait3A_19 = arith.constant 0 : i32
    %dma_wait3A_20 = tpu.memref_slice %arg2[%dma_wait3A_18, %dma_wait3A_19] : memref<8192x32xf32, #tpu.memory_space<hbm>> -> memref<8192x32xf32, #tpu.memory_space<hbm>>
    tpu.wait_indirect_dma semaphore(%arg10 : memref<!tpu.dma_semaphore, #tpu.memory_space<semaphore_mem>>) src(%dma_wait3A_20 : memref<8192x32xf32, #tpu.memory_space<hbm>>) dst(%dma_wait3A_14 : memref<128x32xf32, #tpu.memory_space<vmem>>)
    %dma_start3A_21 = arith.constant 1 : i32
    %dma_start3A_22 = arith.constant 128 : i32
    %dma_start3A_23 = arith.constant 0 : i32
    %dma_start3A_24 = tpu.memref_slice %arg8[%dma_start3A_22, %dma_start3A_23] : memref<256x32xf32, #tpu.memory_space<vmem>> -> memref<128x32xf32, #tpu.memory_space<vmem>>
    %dma_start3A_25 = arith.constant 0 : i32
    %dma_start3A_26 = tpu.memref_slice %arg7[%dma_start3A_21, %dma_start3A_25] : memref<2x128xi32, #tpu.memory_space<vmem>> -> memref<1x128xi32, #tpu.memory_space<vmem>>
    %dma_start3A_27 = tpu.memref_squeeze %dma_start3A_26 : memref<1x128xi32, #tpu.memory_space<vmem>> -> memref<128xi32, #tpu.memory_space<vmem>>
    %dma_start3A_28 = arith.constant 0 : i32
    %dma_start3A_29 = arith.constant 0 : i32
    %dma_start3A_30 = tpu.memref_slice %arg2[%dma_start3A_28, %dma_start3A_29] : memref<8192x32xf32, #tpu.memory_space<hbm>> -> memref<8192x32xf32, #tpu.memory_space<hbm>>
    tpu.enqueue_indirect_dma source(%dma_start3A_30 : memref<8192x32xf32, #tpu.memory_space<hbm>>) target(%dma_start3A_24 : memref<128x32xf32, #tpu.memory_space<vmem>>) offsets(%dma_start3A_27 : memref<128xi32, #tpu.memory_space<vmem>>) semaphore(%arg10 : memref<!tpu.dma_semaphore, #tpu.memory_space<semaphore_mem>>)
    %dma_wait3A_31 = arith.constant 1 : i32
    %dma_wait3A_32 = arith.constant 128 : i32
    %dma_wait3A_33 = arith.constant 0 : i32
    %dma_wait3A_34 = tpu.memref_slice %arg8[%dma_wait3A_32, %dma_wait3A_33] : memref<256x32xf32, #tpu.memory_space<vmem>> -> memref<128x32xf32, #tpu.memory_space<vmem>>
    %dma_wait3A_35 = arith.constant 0 : i32
    %dma_wait3A_36 = tpu.memref_slice %arg7[%dma_wait3A_31, %dma_wait3A_35] : memref<2x128xi32, #tpu.memory_space<vmem>> -> memref<1x128xi32, #tpu.memory_space<vmem>>
    %dma_wait3A_37 = tpu.memref_squeeze %dma_wait3A_36 : memref<1x128xi32, #tpu.memory_space<vmem>> -> memref<128xi32, #tpu.memory_space<vmem>>
    %dma_wait3A_38 = arith.constant 0 : i32
    %dma_wait3A_39 = arith.constant 0 : i32
    %dma_wait3A_40 = tpu.memref_slice %arg2[%dma_wait3A_38, %dma_wait3A_39] : memref<8192x32xf32, #tpu.memory_space<hbm>> -> memref<8192x32xf32, #tpu.memory_space<hbm>>
    tpu.wait_indirect_dma semaphore(%arg10 : memref<!tpu.dma_semaphore, #tpu.memory_space<semaphore_mem>>) src(%dma_wait3A_40 : memref<8192x32xf32, #tpu.memory_space<hbm>>) dst(%dma_wait3A_34 : memref<128x32xf32, #tpu.memory_space<vmem>>)
    %broadcast_in_dim3A = arith.constant 1.000000e+00 : f32
    %broadcast_in_dim3A_41 = vector.broadcast %broadcast_in_dim3A : f32 to vector<16xf32>
    %get3A = arith.constant 0 : i32
    %get3A_42 = arith.index_cast %get3A : i32 to index
    %get3A_43 = arith.constant 0 : index
    %get3A_44 = tpu.vector_load %arg7[%get3A_42, %get3A_43] {strides = array<i32>} : memref<2x128xi32, #tpu.memory_space<vmem>>, vector<16xi32>,
    tpu.vector_store_idx %arg9[%get3A_44], %broadcast_in_dim3A_41 {add = true} : memref<8192xf32, #tpu.memory_space<vmem>>[vector<16xi32>], vector<16xf32>,
    %get3A_45 = arith.constant 0 : i32
    %get3A_46 = arith.index_cast %get3A_45 : i32 to index
    %get3A_47 = arith.constant 16 : index
    %get3A_48 = tpu.vector_load %arg7[%get3A_46, %get3A_47] {strides = array<i32>} : memref<2x128xi32, #tpu.memory_space<vmem>>, vector<16xi32>,
    tpu.vector_store_idx %arg9[%get3A_48], %broadcast_in_dim3A_41 {add = true} : memref<8192xf32, #tpu.memory_space<vmem>>[vector<16xi32>], vector<16xf32>,
    %get3A_49 = arith.constant 0 : i32
    %get3A_50 = arith.index_cast %get3A_49 : i32 to index
    %get3A_51 = arith.constant 32 : index
    %get3A_52 = tpu.vector_load %arg7[%get3A_50, %get3A_51] {strides = array<i32>} : memref<2x128xi32, #tpu.memory_space<vmem>>, vector<16xi32>,
    tpu.vector_store_idx %arg9[%get3A_52], %broadcast_in_dim3A_41 {add = true} : memref<8192xf32, #tpu.memory_space<vmem>>[vector<16xi32>], vector<16xf32>,
    %get3A_53 = arith.constant 0 : i32
    %get3A_54 = arith.index_cast %get3A_53 : i32 to index
    %get3A_55 = arith.constant 48 : index
    %get3A_56 = tpu.vector_load %arg7[%get3A_54, %get3A_55] {strides = array<i32>} : memref<2x128xi32, #tpu.memory_space<vmem>>, vector<16xi32>,
    tpu.vector_store_idx %arg9[%get3A_56], %broadcast_in_dim3A_41 {add = true} : memref<8192xf32, #tpu.memory_space<vmem>>[vector<16xi32>], vector<16xf32>,
    %get3A_57 = arith.constant 0 : i32
    %get3A_58 = arith.index_cast %get3A_57 : i32 to index
    %get3A_59 = arith.constant 64 : index
    %get3A_60 = tpu.vector_load %arg7[%get3A_58, %get3A_59] {strides = array<i32>} : memref<2x128xi32, #tpu.memory_space<vmem>>, vector<16xi32>,
    tpu.vector_store_idx %arg9[%get3A_60], %broadcast_in_dim3A_41 {add = true} : memref<8192xf32, #tpu.memory_space<vmem>>[vector<16xi32>], vector<16xf32>,
    %get3A_61 = arith.constant 0 : i32
    %get3A_62 = arith.index_cast %get3A_61 : i32 to index
    %get3A_63 = arith.constant 80 : index
    %get3A_64 = tpu.vector_load %arg7[%get3A_62, %get3A_63] {strides = array<i32>} : memref<2x128xi32, #tpu.memory_space<vmem>>, vector<16xi32>,
    tpu.vector_store_idx %arg9[%get3A_64], %broadcast_in_dim3A_41 {add = true} : memref<8192xf32, #tpu.memory_space<vmem>>[vector<16xi32>], vector<16xf32>,
    %get3A_65 = arith.constant 0 : i32
    %get3A_66 = arith.index_cast %get3A_65 : i32 to index
    %get3A_67 = arith.constant 96 : index
    %get3A_68 = tpu.vector_load %arg7[%get3A_66, %get3A_67] {strides = array<i32>} : memref<2x128xi32, #tpu.memory_space<vmem>>, vector<16xi32>,
    tpu.vector_store_idx %arg9[%get3A_68], %broadcast_in_dim3A_41 {add = true} : memref<8192xf32, #tpu.memory_space<vmem>>[vector<16xi32>], vector<16xf32>,
    %get3A_69 = arith.constant 0 : i32
    %get3A_70 = arith.index_cast %get3A_69 : i32 to index
    %get3A_71 = arith.constant 112 : index
    %get3A_72 = tpu.vector_load %arg7[%get3A_70, %get3A_71] {strides = array<i32>} : memref<2x128xi32, #tpu.memory_space<vmem>>, vector<16xi32>,
    tpu.vector_store_idx %arg9[%get3A_72], %broadcast_in_dim3A_41 {add = true} : memref<8192xf32, #tpu.memory_space<vmem>>[vector<16xi32>], vector<16xf32>,
    %get3A_73 = arith.constant 1 : i32
    %get3A_74 = arith.index_cast %get3A_73 : i32 to index
    %get3A_75 = arith.constant 0 : index
    %get3A_76 = tpu.vector_load %arg7[%get3A_74, %get3A_75] {strides = array<i32>} : memref<2x128xi32, #tpu.memory_space<vmem>>, vector<16xi32>,
    tpu.vector_store_idx %arg9[%get3A_76], %broadcast_in_dim3A_41 {add = true} : memref<8192xf32, #tpu.memory_space<vmem>>[vector<16xi32>], vector<16xf32>,
    %get3A_77 = arith.constant 1 : i32
    %get3A_78 = arith.index_cast %get3A_77 : i32 to index
    %get3A_79 = arith.constant 16 : index
    %get3A_80 = tpu.vector_load %arg7[%get3A_78, %get3A_79] {strides = array<i32>} : memref<2x128xi32, #tpu.memory_space<vmem>>, vector<16xi32>,
    tpu.vector_store_idx %arg9[%get3A_80], %broadcast_in_dim3A_41 {add = true} : memref<8192xf32, #tpu.memory_space<vmem>>[vector<16xi32>], vector<16xf32>,
    %get3A_81 = arith.constant 1 : i32
    %get3A_82 = arith.index_cast %get3A_81 : i32 to index
    %get3A_83 = arith.constant 32 : index
    %get3A_84 = tpu.vector_load %arg7[%get3A_82, %get3A_83] {strides = array<i32>} : memref<2x128xi32, #tpu.memory_space<vmem>>, vector<16xi32>,
    tpu.vector_store_idx %arg9[%get3A_84], %broadcast_in_dim3A_41 {add = true} : memref<8192xf32, #tpu.memory_space<vmem>>[vector<16xi32>], vector<16xf32>,
    %get3A_85 = arith.constant 1 : i32
    %get3A_86 = arith.index_cast %get3A_85 : i32 to index
    %get3A_87 = arith.constant 48 : index
    %get3A_88 = tpu.vector_load %arg7[%get3A_86, %get3A_87] {strides = array<i32>} : memref<2x128xi32, #tpu.memory_space<vmem>>, vector<16xi32>,
    tpu.vector_store_idx %arg9[%get3A_88], %broadcast_in_dim3A_41 {add = true} : memref<8192xf32, #tpu.memory_space<vmem>>[vector<16xi32>], vector<16xf32>,
    %get3A_89 = arith.constant 1 : i32
    %get3A_90 = arith.index_cast %get3A_89 : i32 to index
    %get3A_91 = arith.constant 64 : index
    %get3A_92 = tpu.vector_load %arg7[%get3A_90, %get3A_91] {strides = array<i32>} : memref<2x128xi32, #tpu.memory_space<vmem>>, vector<16xi32>,
    tpu.vector_store_idx %arg9[%get3A_92], %broadcast_in_dim3A_41 {add = true} : memref<8192xf32, #tpu.memory_space<vmem>>[vector<16xi32>], vector<16xf32>,
    %get3A_93 = arith.constant 1 : i32
    %get3A_94 = arith.index_cast %get3A_93 : i32 to index
    %get3A_95 = arith.constant 80 : index
    %get3A_96 = tpu.vector_load %arg7[%get3A_94, %get3A_95] {strides = array<i32>} : memref<2x128xi32, #tpu.memory_space<vmem>>, vector<16xi32>,
    tpu.vector_store_idx %arg9[%get3A_96], %broadcast_in_dim3A_41 {add = true} : memref<8192xf32, #tpu.memory_space<vmem>>[vector<16xi32>], vector<16xf32>,
    %get3A_97 = arith.constant 1 : i32
    %get3A_98 = arith.index_cast %get3A_97 : i32 to index
    %get3A_99 = arith.constant 96 : index
    %get3A_100 = tpu.vector_load %arg7[%get3A_98, %get3A_99] {strides = array<i32>} : memref<2x128xi32, #tpu.memory_space<vmem>>, vector<16xi32>,
    tpu.vector_store_idx %arg9[%get3A_100], %broadcast_in_dim3A_41 {add = true} : memref<8192xf32, #tpu.memory_space<vmem>>[vector<16xi32>], vector<16xf32>,
    %get3A_101 = arith.constant 1 : i32
    %get3A_102 = arith.index_cast %get3A_101 : i32 to index
    %get3A_103 = arith.constant 112 : index
    %get3A_104 = tpu.vector_load %arg7[%get3A_102, %get3A_103] {strides = array<i32>} : memref<2x128xi32, #tpu.memory_space<vmem>>, vector<16xi32>,
    tpu.vector_store_idx %arg9[%get3A_104], %broadcast_in_dim3A_41 {add = true} : memref<8192xf32, #tpu.memory_space<vmem>>[vector<16xi32>], vector<16xf32>,
    %mul3A_105 = arith.constant 256 : i32
    %mul3A_106 = arith.muli %add3A, %mul3A_105 : i32
    "tpu.region"() ({
      %run_scoped3A = tpu.sem_alloc : memref<!tpu.dma_semaphore, #tpu.memory_space<semaphore_mem>>
      %dma_start3A_107 = arith.constant 0 : i32
      %dma_start3A_108 = tpu.memref_slice %arg5[%mul3A_106, %dma_start3A_107] : memref<8192x32xf32, #tpu.memory_space<hbm>> -> memref<256x32xf32, #tpu.memory_space<hbm>>
      %dma_start3A_109 = arith.constant 0 : i32
      %dma_start3A_110 = tpu.memref_slice %arg5[%mul3A_106, %dma_start3A_109] : memref<8192x32xf32, #tpu.memory_space<hbm>> -> memref<256x32xf32, #tpu.memory_space<hbm>>
      tpu.enqueue_dma source(%arg8 : memref<256x32xf32, #tpu.memory_space<vmem>>) target(%dma_start3A_110 : memref<256x32xf32, #tpu.memory_space<hbm>>) target_semaphore(%run_scoped3A : memref<!tpu.dma_semaphore, #tpu.memory_space<semaphore_mem>>)
      %dma_wait3A_111 = arith.constant 0 : i32
      %dma_wait3A_112 = tpu.memref_slice %arg5[%mul3A_106, %dma_wait3A_111] : memref<8192x32xf32, #tpu.memory_space<hbm>> -> memref<256x32xf32, #tpu.memory_space<hbm>>
      %dma_wait3A_113 = arith.constant 0 : i32
      %dma_wait3A_114 = tpu.memref_slice %arg5[%mul3A_106, %dma_wait3A_113] : memref<8192x32xf32, #tpu.memory_space<hbm>> -> memref<256x32xf32, #tpu.memory_space<hbm>>
      tpu.wait_dma2 semaphore(%run_scoped3A : memref<!tpu.dma_semaphore, #tpu.memory_space<semaphore_mem>>) src(%arg8 : memref<256x32xf32, #tpu.memory_space<vmem>>) dst(%dma_wait3A_114 : memref<256x32xf32, #tpu.memory_space<hbm>>)
      tpu.yield
    }) : () -> ()
    "tpu.region"() ({
      %run_scoped3A = tpu.sem_alloc : memref<!tpu.dma_semaphore, #tpu.memory_space<semaphore_mem>>
      %dma_start3A_107 = arith.constant 0 : i32
      %dma_start3A_108 = tpu.memref_slice %arg6[%add3A, %dma_start3A_107] : memref<32x8192xf32, #tpu.memory_space<hbm>> -> memref<1x8192xf32, #tpu.memory_space<hbm>>
      %dma_start3A_109 = tpu.memref_squeeze %dma_start3A_108 : memref<1x8192xf32, #tpu.memory_space<hbm>> -> memref<8192xf32, #tpu.memory_space<hbm>>
      %dma_start3A_110 = arith.constant 0 : i32
      %dma_start3A_111 = tpu.memref_slice %arg6[%add3A, %dma_start3A_110] : memref<32x8192xf32, #tpu.memory_space<hbm>> -> memref<1x8192xf32, #tpu.memory_space<hbm>>
      %dma_start3A_112 = tpu.memref_squeeze %dma_start3A_111 : memref<1x8192xf32, #tpu.memory_space<hbm>> -> memref<8192xf32, #tpu.memory_space<hbm>>
      tpu.enqueue_dma source(%arg9 : memref<8192xf32, #tpu.memory_space<vmem>>) target(%dma_start3A_112 : memref<8192xf32, #tpu.memory_space<hbm>>) target_semaphore(%run_scoped3A : memref<!tpu.dma_semaphore, #tpu.memory_space<semaphore_mem>>)
      %dma_wait3A_113 = arith.constant 0 : i32
      %dma_wait3A_114 = tpu.memref_slice %arg6[%add3A, %dma_wait3A_113] : memref<32x8192xf32, #tpu.memory_space<hbm>> -> memref<1x8192xf32, #tpu.memory_space<hbm>>
      %dma_wait3A_115 = tpu.memref_squeeze %dma_wait3A_114 : memref<1x8192xf32, #tpu.memory_space<hbm>> -> memref<8192xf32, #tpu.memory_space<hbm>>
      %dma_wait3A_116 = arith.constant 0 : i32
      %dma_wait3A_117 = tpu.memref_slice %arg6[%add3A, %dma_wait3A_116] : memref<32x8192xf32, #tpu.memory_space<hbm>> -> memref<1x8192xf32, #tpu.memory_space<hbm>>
      %dma_wait3A_118 = tpu.memref_squeeze %dma_wait3A_117 : memref<1x8192xf32, #tpu.memory_space<hbm>> -> memref<8192xf32, #tpu.memory_space<hbm>>
      tpu.wait_dma2 semaphore(%run_scoped3A : memref<!tpu.dma_semaphore, #tpu.memory_space<semaphore_mem>>) src(%arg9 : memref<8192xf32, #tpu.memory_space<vmem>>) dst(%dma_wait3A_118 : memref<8192xf32, #tpu.memory_space<hbm>>)
      tpu.yield
    }) : () -> ()
    return
  }
}

module attributes {stable_mosaic.version = 14 : i64} {
  func.func @_vq_tile_kernel(%arg0: i32, %arg1: memref<512x32xf32, #tpu.memory_space<vmem>>, %arg2: memref<512x1xf32, #tpu.memory_space<vmem>>, %arg3: memref<1x8192xf32, #tpu.memory_space<vmem>>, %arg4: memref<32x8192xf32, #tpu.memory_space<vmem>>, %arg5: memref<512x1xi32, #tpu.memory_space<vmem>>) attributes {dimension_semantics = [#tpu.dimension_semantics<arbitrary>], iteration_bounds = array<i64: 16>, scalar_prefetch = 0 : i64, scratch_operands = 0 : i64, tpu.core_type = #tpu.core_type<tc>, window_params = [{transform_indices = @transform_0, window_bounds = array<i64: 512, 32>}, {transform_indices = @transform_1, window_bounds = array<i64: 512, 1>}, {pipeline_mode = #tpu.pipeline_mode<synchronous>, transform_indices = @transform_2, window_bounds = array<i64: 1, 8192>}, {pipeline_mode = #tpu.pipeline_mode<synchronous>, transform_indices = @transform_3, window_bounds = array<i64: 32, 8192>}, {transform_indices = @transform_4, window_bounds = array<i64: 512, 1>}]} {
    %get3A = arith.constant 0 : index
    %get3A_0 = arith.constant 0 : index
    %get3A_1 = vector.load %arg1[%get3A, %get3A_0] : memref<512x32xf32, #tpu.memory_space<vmem>>, vector<512x32xf32>
    %get3A_2 = arith.constant 0 : index
    %get3A_3 = arith.constant 0 : index
    %get3A_4 = vector.load %arg4[%get3A_2, %get3A_3] : memref<32x8192xf32, #tpu.memory_space<vmem>>, vector<32x8192xf32>
    %dot_general3A = arith.constant dense<0.000000e+00> : vector<512x8192xf32>
    %dot_general3A_5 = tpu.matmul %get3A_1, %get3A_4, %dot_general3A {dimension_numbers = #tpu.dot_dimension_numbers<[1], [0], [0], [1], [0, 0, 1, 1], [], []>, transpose_lhs_hint = false} : vector<512x32xf32>, vector<32x8192xf32>, vector<512x8192xf32> -> vector<512x8192xf32>
    %get3A_6 = arith.constant 0 : index
    %get3A_7 = arith.constant 0 : index
    %get3A_8 = vector.load %arg2[%get3A_6, %get3A_7] : memref<512x1xf32, #tpu.memory_space<vmem>>, vector<512x1xf32>
    %mul3A = arith.constant 2.000000e+00 : f32
    %mul3A_9 = vector.broadcast %mul3A : f32 to vector<512x8192xf32>
    %mul3A_10 = arith.mulf %mul3A_9, %dot_general3A_5 : vector<512x8192xf32>
    %sub3A = vector.broadcast %get3A_8 : vector<512x1xf32> to vector<512x8192xf32>
    %sub3A_11 = arith.subf %sub3A, %mul3A_10 : vector<512x8192xf32>
    %get3A_12 = arith.constant 0 : index
    %get3A_13 = arith.constant 0 : index
    %get3A_14 = vector.load %arg3[%get3A_12, %get3A_13] : memref<1x8192xf32, #tpu.memory_space<vmem>>, vector<1x8192xf32>
    %add3A = vector.broadcast %get3A_14 : vector<1x8192xf32> to vector<512x8192xf32>
    %add3A_15 = arith.addf %sub3A_11, %add3A : vector<512x8192xf32>
    %broadcast_in_dim3A = arith.constant 0x7F800000 : f32
    %broadcast_in_dim3A_16 = vector.broadcast %broadcast_in_dim3A : f32 to vector<512x1xf32>
    %broadcast_in_dim3A_17 = arith.constant 0 : i32
    %broadcast_in_dim3A_18 = vector.broadcast %broadcast_in_dim3A_17 : i32 to vector<512x1xi32>
    %iota3A = tpu.iota {dimensions = array<i32: 1>} : vector<512x8192xi32>
    %slice3A = vector.extract_strided_slice %add3A_15 {offsets = [0, 0], sizes = [512, 2048], strides = [1, 1]} : vector<512x8192xf32> to vector<512x2048xf32>
    %reduce_min3A = arith.constant dense<0x7F800000> : vector<512xf32>
    %reduce_min3A_19 = vector.multi_reduction <minimumf>, %slice3A, %reduce_min3A [1] : vector<512x2048xf32> to vector<512xf32>
    %broadcast_in_dim3A_20 = vector.shape_cast %reduce_min3A_19 : vector<512xf32> to vector<512x1xf32>
    %slice3A_21 = vector.extract_strided_slice %iota3A {offsets = [0, 0], sizes = [512, 2048], strides = [1, 1]} : vector<512x8192xi32> to vector<512x2048xi32>
    %eq3A = vector.broadcast %broadcast_in_dim3A_20 : vector<512x1xf32> to vector<512x2048xf32>
    %eq3A_22 = arith.cmpf oeq, %slice3A, %eq3A : vector<512x2048xf32>
    %jit3A = arith.constant 1073741824 : i32
    %broadcast_in_dim3A_23 = vector.broadcast %jit3A : i32 to vector<512x2048xi32>
    %select_n3A = arith.select %eq3A_22, %slice3A_21, %broadcast_in_dim3A_23 : vector<512x2048xi1>, vector<512x2048xi32>
    %reduce_min3A_24 = arith.constant dense<2147483647> : vector<512xi32>
    %reduce_min3A_25 = vector.multi_reduction <minsi>, %select_n3A, %reduce_min3A_24 [1] : vector<512x2048xi32> to vector<512xi32>
    %broadcast_in_dim3A_26 = vector.shape_cast %reduce_min3A_25 : vector<512xi32> to vector<512x1xi32>
    %lt3A = arith.cmpf olt, %broadcast_in_dim3A_20, %broadcast_in_dim3A_16 : vector<512x1xf32>
    %select_n3A_27 = arith.select %lt3A, %broadcast_in_dim3A_26, %broadcast_in_dim3A_18 : vector<512x1xi1>, vector<512x1xi32>
    %select_n3A_28 = arith.select %lt3A, %broadcast_in_dim3A_20, %broadcast_in_dim3A_16 : vector<512x1xi1>, vector<512x1xf32>
    %bitcast_convert_type3A = tpu.bitcast %select_n3A_28 : vector<512x1xf32> -> vector<512x1xi32>
    %add3A_29 = arith.constant 32768 : i32
    %add3A_30 = vector.broadcast %add3A_29 : i32 to vector<512x1xi32>
    %add3A_31 = arith.addi %bitcast_convert_type3A, %add3A_30 : vector<512x1xi32>
    %and3A = arith.constant -65536 : i32
    %and3A_32 = vector.broadcast %and3A : i32 to vector<512x1xi32>
    %and3A_33 = arith.andi %add3A_31, %and3A_32 : vector<512x1xi32>
    %bitcast_convert_type3A_34 = tpu.bitcast %and3A_33 : vector<512x1xi32> -> vector<512x1xf32>
    %slice3A_35 = vector.extract_strided_slice %add3A_15 {offsets = [0, 2048], sizes = [512, 2048], strides = [1, 1]} : vector<512x8192xf32> to vector<512x2048xf32>
    %reduce_min3A_36 = arith.constant dense<0x7F800000> : vector<512xf32>
    %reduce_min3A_37 = vector.multi_reduction <minimumf>, %slice3A_35, %reduce_min3A_36 [1] : vector<512x2048xf32> to vector<512xf32>
    %broadcast_in_dim3A_38 = vector.shape_cast %reduce_min3A_37 : vector<512xf32> to vector<512x1xf32>
    %slice3A_39 = vector.extract_strided_slice %iota3A {offsets = [0, 2048], sizes = [512, 2048], strides = [1, 1]} : vector<512x8192xi32> to vector<512x2048xi32>
    %eq3A_40 = vector.broadcast %broadcast_in_dim3A_38 : vector<512x1xf32> to vector<512x2048xf32>
    %eq3A_41 = arith.cmpf oeq, %slice3A_35, %eq3A_40 : vector<512x2048xf32>
    %jit3A_42 = arith.constant 1073741824 : i32
    %broadcast_in_dim3A_43 = vector.broadcast %jit3A_42 : i32 to vector<512x2048xi32>
    %select_n3A_44 = arith.select %eq3A_41, %slice3A_39, %broadcast_in_dim3A_43 : vector<512x2048xi1>, vector<512x2048xi32>
    %reduce_min3A_45 = arith.constant dense<2147483647> : vector<512xi32>
    %reduce_min3A_46 = vector.multi_reduction <minsi>, %select_n3A_44, %reduce_min3A_45 [1] : vector<512x2048xi32> to vector<512xi32>
    %broadcast_in_dim3A_47 = vector.shape_cast %reduce_min3A_46 : vector<512xi32> to vector<512x1xi32>
    %lt3A_48 = arith.cmpf olt, %broadcast_in_dim3A_38, %bitcast_convert_type3A_34 : vector<512x1xf32>
    %select_n3A_49 = arith.select %lt3A_48, %broadcast_in_dim3A_47, %select_n3A_27 : vector<512x1xi1>, vector<512x1xi32>
    %select_n3A_50 = arith.select %lt3A_48, %broadcast_in_dim3A_38, %bitcast_convert_type3A_34 : vector<512x1xi1>, vector<512x1xf32>
    %bitcast_convert_type3A_51 = tpu.bitcast %select_n3A_50 : vector<512x1xf32> -> vector<512x1xi32>
    %add3A_52 = arith.constant 32768 : i32
    %add3A_53 = vector.broadcast %add3A_52 : i32 to vector<512x1xi32>
    %add3A_54 = arith.addi %bitcast_convert_type3A_51, %add3A_53 : vector<512x1xi32>
    %and3A_55 = arith.constant -65536 : i32
    %and3A_56 = vector.broadcast %and3A_55 : i32 to vector<512x1xi32>
    %and3A_57 = arith.andi %add3A_54, %and3A_56 : vector<512x1xi32>
    %bitcast_convert_type3A_58 = tpu.bitcast %and3A_57 : vector<512x1xi32> -> vector<512x1xf32>
    %slice3A_59 = vector.extract_strided_slice %add3A_15 {offsets = [0, 4096], sizes = [512, 2048], strides = [1, 1]} : vector<512x8192xf32> to vector<512x2048xf32>
    %reduce_min3A_60 = arith.constant dense<0x7F800000> : vector<512xf32>
    %reduce_min3A_61 = vector.multi_reduction <minimumf>, %slice3A_59, %reduce_min3A_60 [1] : vector<512x2048xf32> to vector<512xf32>
    %broadcast_in_dim3A_62 = vector.shape_cast %reduce_min3A_61 : vector<512xf32> to vector<512x1xf32>
    %slice3A_63 = vector.extract_strided_slice %iota3A {offsets = [0, 4096], sizes = [512, 2048], strides = [1, 1]} : vector<512x8192xi32> to vector<512x2048xi32>
    %eq3A_64 = vector.broadcast %broadcast_in_dim3A_62 : vector<512x1xf32> to vector<512x2048xf32>
    %eq3A_65 = arith.cmpf oeq, %slice3A_59, %eq3A_64 : vector<512x2048xf32>
    %jit3A_66 = arith.constant 1073741824 : i32
    %broadcast_in_dim3A_67 = vector.broadcast %jit3A_66 : i32 to vector<512x2048xi32>
    %select_n3A_68 = arith.select %eq3A_65, %slice3A_63, %broadcast_in_dim3A_67 : vector<512x2048xi1>, vector<512x2048xi32>
    %reduce_min3A_69 = arith.constant dense<2147483647> : vector<512xi32>
    %reduce_min3A_70 = vector.multi_reduction <minsi>, %select_n3A_68, %reduce_min3A_69 [1] : vector<512x2048xi32> to vector<512xi32>
    %broadcast_in_dim3A_71 = vector.shape_cast %reduce_min3A_70 : vector<512xi32> to vector<512x1xi32>
    %lt3A_72 = arith.cmpf olt, %broadcast_in_dim3A_62, %bitcast_convert_type3A_58 : vector<512x1xf32>
    %select_n3A_73 = arith.select %lt3A_72, %broadcast_in_dim3A_71, %select_n3A_49 : vector<512x1xi1>, vector<512x1xi32>
    %select_n3A_74 = arith.select %lt3A_72, %broadcast_in_dim3A_62, %bitcast_convert_type3A_58 : vector<512x1xi1>, vector<512x1xf32>
    %bitcast_convert_type3A_75 = tpu.bitcast %select_n3A_74 : vector<512x1xf32> -> vector<512x1xi32>
    %add3A_76 = arith.constant 32768 : i32
    %add3A_77 = vector.broadcast %add3A_76 : i32 to vector<512x1xi32>
    %add3A_78 = arith.addi %bitcast_convert_type3A_75, %add3A_77 : vector<512x1xi32>
    %and3A_79 = arith.constant -65536 : i32
    %and3A_80 = vector.broadcast %and3A_79 : i32 to vector<512x1xi32>
    %and3A_81 = arith.andi %add3A_78, %and3A_80 : vector<512x1xi32>
    %bitcast_convert_type3A_82 = tpu.bitcast %and3A_81 : vector<512x1xi32> -> vector<512x1xf32>
    %slice3A_83 = vector.extract_strided_slice %add3A_15 {offsets = [0, 6144], sizes = [512, 2048], strides = [1, 1]} : vector<512x8192xf32> to vector<512x2048xf32>
    %reduce_min3A_84 = arith.constant dense<0x7F800000> : vector<512xf32>
    %reduce_min3A_85 = vector.multi_reduction <minimumf>, %slice3A_83, %reduce_min3A_84 [1] : vector<512x2048xf32> to vector<512xf32>
    %broadcast_in_dim3A_86 = vector.shape_cast %reduce_min3A_85 : vector<512xf32> to vector<512x1xf32>
    %slice3A_87 = vector.extract_strided_slice %iota3A {offsets = [0, 6144], sizes = [512, 2048], strides = [1, 1]} : vector<512x8192xi32> to vector<512x2048xi32>
    %eq3A_88 = vector.broadcast %broadcast_in_dim3A_86 : vector<512x1xf32> to vector<512x2048xf32>
    %eq3A_89 = arith.cmpf oeq, %slice3A_83, %eq3A_88 : vector<512x2048xf32>
    %jit3A_90 = arith.constant 1073741824 : i32
    %broadcast_in_dim3A_91 = vector.broadcast %jit3A_90 : i32 to vector<512x2048xi32>
    %select_n3A_92 = arith.select %eq3A_89, %slice3A_87, %broadcast_in_dim3A_91 : vector<512x2048xi1>, vector<512x2048xi32>
    %reduce_min3A_93 = arith.constant dense<2147483647> : vector<512xi32>
    %reduce_min3A_94 = vector.multi_reduction <minsi>, %select_n3A_92, %reduce_min3A_93 [1] : vector<512x2048xi32> to vector<512xi32>
    %broadcast_in_dim3A_95 = vector.shape_cast %reduce_min3A_94 : vector<512xi32> to vector<512x1xi32>
    %lt3A_96 = arith.cmpf olt, %broadcast_in_dim3A_86, %bitcast_convert_type3A_82 : vector<512x1xf32>
    %select_n3A_97 = arith.select %lt3A_96, %broadcast_in_dim3A_95, %select_n3A_73 : vector<512x1xi1>, vector<512x1xi32>
    %swap3A = arith.constant 0 : index
    %swap3A_98 = arith.constant 0 : index
    %swap3A_99 = vector.load %arg5[%swap3A, %swap3A_98] : memref<512x1xi32, #tpu.memory_space<vmem>>, vector<512x1xi32>
    tpu.vector_store %arg5[%swap3A, %swap3A_98], %select_n3A_97 {strides = array<i32>} : memref<512x1xi32, #tpu.memory_space<vmem>>, vector<512x1xi32>,
    return
  }
  func.func @transform_0(%arg0: i32) -> (i32, i32) {
    %c0_i32 = arith.constant 0 : i32
    %c0_i32_0 = arith.constant 0 : i32
    return %arg0, %c0_i32 : i32, i32
  }
  func.func @transform_1(%arg0: i32) -> (i32, i32) {
    %c0_i32 = arith.constant 0 : i32
    %c0_i32_0 = arith.constant 0 : i32
    return %arg0, %c0_i32 : i32, i32
  }
  func.func @transform_2(%arg0: i32) -> (i32, i32) {
    %c0_i32 = arith.constant 0 : i32
    %c0_i32_0 = arith.constant 0 : i32
    %c0_i32_1 = arith.constant 0 : i32
    return %c0_i32, %c0_i32_0 : i32, i32
  }
  func.func @transform_3(%arg0: i32) -> (i32, i32) {
    %c0_i32 = arith.constant 0 : i32
    %c0_i32_0 = arith.constant 0 : i32
    %c0_i32_1 = arith.constant 0 : i32
    return %c0_i32, %c0_i32_0 : i32, i32
  }
  func.func @transform_4(%arg0: i32) -> (i32, i32) {
    %c0_i32 = arith.constant 0 : i32
    %c0_i32_0 = arith.constant 0 : i32
    return %arg0, %c0_i32 : i32, i32
  }
}

module attributes {stable_mosaic.version = 14 : i64} {
  func.func @_finish_kernel(%arg0: memref<8192x32xf32, #tpu.memory_space<vmem>>, %arg1: memref<8192x32xf32, #tpu.memory_space<vmem>>, %arg2: memref<32x8192xf32, #tpu.memory_space<vmem>>, %arg3: memref<8192x32xf32, #tpu.memory_space<vmem>>, %arg4: memref<1x1xf32, #tpu.memory_space<vmem>>, %arg5: memref<1x1xf32, #tpu.memory_space<vmem>>) attributes {dimension_semantics = [], scalar_prefetch = 0 : i64, scratch_operands = 0 : i64, tpu.core_type = #tpu.core_type<tc>} {
    %get3A = arith.constant 0 : index
    %get3A_0 = arith.constant 0 : index
    %get3A_1 = vector.load %arg0[%get3A, %get3A_0] : memref<8192x32xf32, #tpu.memory_space<vmem>>, vector<8192x32xf32>
    %get3A_2 = arith.constant 0 : index
    %get3A_3 = arith.constant 0 : index
    %get3A_4 = vector.load %arg1[%get3A_2, %get3A_3] : memref<8192x32xf32, #tpu.memory_space<vmem>>, vector<8192x32xf32>
    %sub3A = arith.subf %get3A_4, %get3A_1 : vector<8192x32xf32>
    %add3A = arith.addf %get3A_1, %sub3A : vector<8192x32xf32>
    %swap3A = arith.constant 0 : index
    %swap3A_5 = arith.constant 0 : index
    %swap3A_6 = vector.load %arg3[%swap3A, %swap3A_5] : memref<8192x32xf32, #tpu.memory_space<vmem>>, vector<8192x32xf32>
    tpu.vector_store %arg3[%swap3A, %swap3A_5], %add3A {strides = array<i32>} : memref<8192x32xf32, #tpu.memory_space<vmem>>, vector<8192x32xf32>,
    %mul3A = arith.mulf %sub3A, %sub3A : vector<8192x32xf32>
    %reduce_sum3A = vector.shape_cast %mul3A : vector<8192x32xf32> to vector<1x8192x32xf32>
    %reduce_sum3A_7 = arith.constant dense<0.000000e+00> : vector<1xf32>
    %reduce_sum3A_8 = vector.multi_reduction <add>, %reduce_sum3A, %reduce_sum3A_7 [1, 2] : vector<1x8192x32xf32> to vector<1xf32>
    %reduce_sum3A_9 = vector.shape_cast %reduce_sum3A_8 : vector<1xf32> to vector<1x1x1xf32>
    %reduce_sum3A_10 = vector.extract %reduce_sum3A_9[0, 0, 0] : f32 from vector<1x1x1xf32>
    %div3A = arith.constant 2.621440e+05 : f32
    %div3A_11 = arith.divf %reduce_sum3A_10, %div3A : f32
    %reshape3A = vector.broadcast %div3A_11 : f32 to vector<1x1xf32>
    %swap3A_12 = arith.constant 0 : index
    %swap3A_13 = arith.constant 0 : index
    %swap3A_14 = vector.load %arg4[%swap3A_12, %swap3A_13] : memref<1x1xf32, #tpu.memory_space<vmem>>, vector<1x1xf32>
    tpu.vector_store %arg4[%swap3A_12, %swap3A_13], %reshape3A {strides = array<i32>} : memref<1x1xf32, #tpu.memory_space<vmem>>, vector<1x1xf32>,
    %get3A_15 = arith.constant 0 : index
    %get3A_16 = arith.constant 0 : index
    %get3A_17 = vector.load %arg2[%get3A_15, %get3A_16] : memref<32x8192xf32, #tpu.memory_space<vmem>>, vector<32x8192xf32>
    %reduce_sum3A_18 = arith.constant dense<0.000000e+00> : vector<8192xf32>
    %reduce_sum3A_19 = vector.multi_reduction <add>, %get3A_17, %reduce_sum3A_18 [0] : vector<32x8192xf32> to vector<8192xf32>
    %broadcast_in_dim3A = vector.shape_cast %reduce_sum3A_19 : vector<8192xf32> to vector<1x8192xf32>
    %mul3A_20 = arith.constant 1.22070313E-4 : f32
    %mul3A_21 = vector.broadcast %mul3A_20 : f32 to vector<1x8192xf32>
    %mul3A_22 = arith.mulf %broadcast_in_dim3A, %mul3A_21 : vector<1x8192xf32>
    %add3A_23 = arith.constant 1.000000e-10 : f32
    %add3A_24 = vector.broadcast %add3A_23 : f32 to vector<1x8192xf32>
    %add3A_25 = arith.addf %mul3A_22, %add3A_24 : vector<1x8192xf32>
    %log3A = math.log %add3A_25 : vector<1x8192xf32>
    %mul3A_26 = arith.mulf %mul3A_22, %log3A : vector<1x8192xf32>
    %reduce_sum3A_27 = vector.shape_cast %mul3A_26 : vector<1x8192xf32> to vector<1x1x8192xf32>
    %reduce_sum3A_28 = arith.constant dense<0.000000e+00> : vector<1xf32>
    %reduce_sum3A_29 = vector.multi_reduction <add>, %reduce_sum3A_27, %reduce_sum3A_28 [1, 2] : vector<1x1x8192xf32> to vector<1xf32>
    %reduce_sum3A_30 = vector.shape_cast %reduce_sum3A_29 : vector<1xf32> to vector<1x1x1xf32>
    %reduce_sum3A_31 = vector.extract %reduce_sum3A_30[0, 0, 0] : f32 from vector<1x1x1xf32>
    %neg3A = arith.constant 0.000000e+00 : f32
    %neg3A_32 = arith.subf %neg3A, %reduce_sum3A_31 : f32
    %exp3A = math.exp %neg3A_32 : f32
    %reshape3A_33 = vector.broadcast %exp3A : f32 to vector<1x1xf32>
    %swap3A_34 = arith.constant 0 : index
    %swap3A_35 = arith.constant 0 : index
    %swap3A_36 = vector.load %arg5[%swap3A_34, %swap3A_35] : memref<1x1xf32, #tpu.memory_space<vmem>>, vector<1x1xf32>
    tpu.vector_store %arg5[%swap3A_34, %swap3A_35], %reshape3A_33 {strides = array<i32>} : memref<1x1xf32, #tpu.memory_space<vmem>>, vector<1x1xf32>,
    return
  }
}

</mosaic_0001>

<sc_bundles>
// kernel: kernel.5.cloned.1.call-start
scs
__scs_entry_jumppad:
0x0: {  	(pc) =	sbr.rel $0x88, $3  }
0x1: {  	(tag) =	ssettag $0x0;
	lr =	simm.s32 $0x1  }
0x2: {  	[smem:$0x3F9F] =	sst lr;
	_ =	strace $0xD0000000  }
0x3: {  	_ = 	snop  }
0x4: {  	_ = 	snop  }
0x5: {  	_ = 	snop  }
0x6: {  	_ = 	snop  }
0x7: {  	_ = 	snop  }
__scs_overlays_trampoline_lowered:
0x8: {  	[smem:$0x3FAE] =	sst s0  }
0x9: {  	[smem:$0x3FAF] =	sst s1  }
0xa: {  	[smem:$0x3FB0] =	sst s2  }
0xb: {  	[smem:$0x3FB1] =	sst s3  }
0xc: {  	[smem:$0x3FB2] =	sst s4  }
0xd: {  	[smem:$0x3FB3] =	sst s5  }
0xe: {  	[smem:$0x3FB4] =	sst s6  }
0xf: {  	[smem:$0x3FB5] =	sst s7  }
0x10: {  	[smem:$0x3FB6] =	sst s8  }
0x11: {  	[smem:$0x3FB7] =	sst s9;
	s0 =	simm.s32 @!p0 $0x0  }
0x12: {  	s1 =	sld [smem:$0x3F9D];
	s0 =	simm.s32 @p0 $0x1  }
0x13: {  	[smem:$0x3FB8] =	sst s0;
	s0 =	simm.s32 @!p1 $0x0  }
0x14: {  	s2 =	sld [smem:$0x3F9C];
	s0 =	simm.s32 @p1 $0x1  }
0x15: {  	[smem:$0x3FB9] =	sst s0;
	s0 =	simm.s32 @!p2 $0x0  }
0x16: {  	s3 =	sld [smem:$0x3FDB];
	s0 =	simm.s32 @p2 $0x1  }
0x17: {  	s4 =	simm.s32 $0x1BF5;
	[smem:$0x3FBB] =	sst s0  }
0x18: {  	s0 =	sld [smem:$0x3F9E];
	_ =	swait.ge [sflag:s4], $0x0  }
0x19: {  	s7 =	sld [smem:$0x3F9F]  }
0x1a: {  	s8 =	sadd.s32 $0xFFFFE003, lr  }
0x1b: {  	s9 =	sadd.s32 $0xFFFFFEF7, lr;
	s5 =	simm.s32 $0xFFFFFFFF;
	p2 =	slt.u32 s8, $0xFFFFF086  }
0x1c: {  	p1 =	slt.u32 s9, $0xF7A;
	s5 =	simm.s32 @!p2 $0x0  }
0x1d: {  	s5 =	simm.s32 @p1 $0x1;
	p0 =	seq.s32 s7, s2  }
0x1e: {  	s7 =	smul.u32 @!p0 $0xF7A, s2;
	p2 =	seq.s32 @!p0 s5, $0x0  }
0x1f: {  	s9 =	smul.u32 $0xF7A, s1;
	s8 =	simm.s32 @!p0 $0x1BF5;
	p2 =	por !p2, p0  }
0x20: {  	[sflag:s8] =	ssyncset.s32 @!p0 $0xFFFFF086;
	s6 =	sadd.s32 @!p0 s3, s7;
	s7 =	simm.s32 @!p0 $0x108  }
0x21: {  	s3 =	sadd.s32 s3, s9;
	s6 =	sadd.s32 @!p0 $0x88, s6;
	s7 =	simm.s32 @p2 $0x1082  }
0x22: {  	[simem:s7], [sflag:s8] =	dma.local @!p0 [hbm:s6], $0xF7A  }
0x23: {  	s9 =	sor.u32 $0xD0000000, s2;
	s6 =	simm.s32 $0x108;
	_ =	swait.ge @!p0 [sflag:s8], $0x0  }
0x24: {  	s3 =	sadd.s32 $0x88, s3;
	s6 =	simm.s32 @!p1 $0x1082;
	[sflag:s4] =	ssyncset.s32 $0xFFFFF086  }
0x25: {  	[simem:s6], [sflag:s4] =	dma.local [hbm:s3], $0xF7A  }
0x26: {  	[smem:$0x3F9F] =	sst s1;
	(tag) =	ssettag s2;
	_ =	strace s9  }
0x27: {  	s1 =	sld [smem:$0x3FAF]  }
0x28: {  	s2 =	sld [smem:$0x3FB0]  }
0x29: {  	s4 =	sld [smem:$0x3FB2]  }
0x2a: {  	p0 =	seq.s32 s5, $0x0;
	s5 =	sld [smem:$0x3FB3]  }
0x2b: {  	s6 =	sld [smem:$0x3FB4]  }
0x2c: {  	s7 =	sld [smem:$0x3FB5]  }
0x2d: {  	s3 =	simm.s32 $0x108;
	s8 =	sld [smem:$0x3FB6]  }
0x2e: {  	s3 =	simm.s32 @!p0 $0x1082;
	s9 =	sld [smem:$0x3FB7]  }
0x2f: {  	lr =	sadd.s32 s0, s3;
	s0 =	sld [smem:$0x3FAE]  }
0x30: {  	s3 =	sld [smem:$0x3FB1]  }
0x31: {  	[smem:$0x3FBA] =	sst s10  }
0x32: {  	s10 =	sld [smem:$0x3FB8];
	_ =	sdelay $0x3  }
0x33: {  	p0 =	seq.s32 s10, $0x1;
	s10 =	sld [smem:$0x3FBA];
	_ =	sdelay $0x3  }
0x34: {  	[smem:$0x3FBA] =	sst s10  }
0x35: {  	s10 =	sld [smem:$0x3FB9];
	_ =	sdelay $0x3  }
0x36: {  	p1 =	seq.s32 s10, $0x1;
	s10 =	sld [smem:$0x3FBA];
	_ =	sdelay $0x3  }
0x37: {  	[smem:$0x3FBA] =	sst s10  }
0x38: {  	s10 =	sld [smem:$0x3FBB]  }
0x39: {  	_ = 	snop;
	(pc) =	sbr.ind lr, $3  }
0x3a: {  	_ = 	snop  }
0x3b: {  	_ = 	snop  }
0x3c: {  	p2 =	seq.s32 s10, $0x1;
	s10 =	sld [smem:$0x3FBA]  }
0x3d: {  	_ =	shalt  }
0x3e: {  	_ =	shalt  }
0x3f: {  	_ =	shalt  }
0x40: {  	_ =	shalt  }
0x41: {  	_ =	shalt  }
0x42: {  	_ =	shalt  }
0x43: {  	_ =	shalt  }
0x44: {  	_ =	shalt  }
0x45: {  	_ =	shalt  }
0x46: {  	_ =	shalt  }
0x47: {  	_ =	shalt  }
0x48: {  	_ =	shalt  }
0x49: {  	_ =	shalt  }
0x4a: {  	_ =	shalt  }
0x4b: {  	_ =	shalt  }
0x4c: {  	_ =	shalt  }
0x4d: {  	_ =	shalt  }
0x4e: {  	_ =	shalt  }
0x4f: {  	_ =	shalt  }
0x50: {  	_ =	shalt  }
0x51: {  	_ =	shalt  }
0x52: {  	_ =	shalt  }
0x53: {  	_ =	shalt  }
0x54: {  	_ =	shalt  }
0x55: {  	_ =	shalt  }
0x56: {  	_ =	shalt  }
0x57: {  	_ =	shalt  }
0x58: {  	_ =	shalt  }
0x59: {  	_ =	shalt  }
0x5a: {  	_ =	shalt  }
0x5b: {  	_ =	shalt  }
0x5c: {  	_ =	shalt  }
0x5d: {  	_ =	shalt  }
0x5e: {  	_ =	shalt  }
0x5f: {  	_ =	shalt  }
0x60: {  	_ =	shalt  }
0x61: {  	_ =	shalt  }
0x62: {  	_ =	shalt  }
0x63: {  	_ =	shalt  }
0x64: {  	_ =	shalt  }
0x65: {  	_ =	shalt  }
0x66: {  	_ =	shalt  }
0x67: {  	_ =	shalt  }
0x68: {  	_ =	shalt  }
0x69: {  	_ =	shalt  }
0x6a: {  	_ =	shalt  }
0x6b: {  	_ =	shalt  }
0x6c: {  	_ =	shalt  }
0x6d: {  	_ =	shalt  }
0x6e: {  	_ =	shalt  }
0x6f: {  	_ =	shalt  }
0x70: {  	_ =	shalt  }
0x71: {  	_ =	shalt  }
0x72: {  	_ =	shalt  }
0x73: {  	_ =	shalt  }
0x74: {  	_ =	shalt  }
0x75: {  	_ =	shalt  }
0x76: {  	_ =	shalt  }
0x77: {  	_ =	shalt  }
0x78: {  	_ =	shalt  }
0x79: {  	_ =	shalt  }
0x7a: {  	_ =	shalt  }
0x7b: {  	_ =	shalt  }
0x7c: {  	_ =	shalt  }
0x7d: {  	_ =	shalt  }
0x7e: {  	_ =	shalt  }
0x7f: {  	_ =	shalt  }
0x80: {  	_ =	shalt  }
0x81: {  	_ =	shalt  }
0x82: {  	_ =	shalt  }
0x83: {  	_ =	shalt  }
0x84: {  	_ =	shalt  }
0x85: {  	_ =	shalt  }
0x86: {  	_ =	shalt  }
0x87: {  	_ =	shalt  }
.Lfunc_end0:
.L_simem_size_0:
called_computation_lowered:
.L_overlay_start_0:
0x88: {  	s2 =	sld [smem:$0x3FD9]  }
0x89: {  	s3 =	sld [smem:$0x3FFE];
	_ =	sdelay $0x1  }
0x8a: {  	s1 =	srdreg.scid  }
0x8b: {  	s0 =	sand.u32 $0x1, s1  }
0x8c: {  	s14 =	sshll.u32 s0, $0xA;
	s2 =	sadd.s32 s3, s2  }
0x8d: {  	s2 =	sadd.s32 s2, s14  }
0x8e: {  	[smem:$0x3FC6] =	sst s2  }
0x8f: {  	_ = 	snop  }
0x90: {  	s2 =	sld [smem:$0x3FD0];
	_ =	sdelay $0x2  }
0x91: {  	s15 =	simm.s32 $0xA;
	s4 =	simm.s32 $0x10  }
0x92: {  	[smem:s4], [sflag:s15] =	dma.local [hbm:s2], $0x1  }
0x93: {  	_ =	swait.eq [sflag:s15], $0x1  }
0x94: {  	[sflag:s15] =	ssyncset.done $0x0  }
0x95: {  	[sflag:s15] =	ssyncadd.s32 $0xFFFFFFFF  }
0x96: {  	s16 =	sld [smem:$0x10];
	(tm) =	ssettm $0x1  }
0x97: {  	s17 =	sld [smem:$0x3FFB];
	_ =	sdelay $0x3  }
0x98: {  	_ =	strace s17  }
0x99: {  	s3 =	sld [smem:$0x3FFC];
	_ =	sdelay $0x3  }
0x9a: {  	_ =	strace s3  }
0x9b: {  	s3 =	sld [smem:$0x3FFD];
	_ =	sdelay $0x3  }
0x9c: {  	_ =	strace s3  }
0x9d: {  	_ =	strace $0x8FFFFFFF  }
0x9e: {  	s18 =	sld [smem:$0x3FDB];
	_ =	sdelay $0x1  }
0x9f: {  	s19 =	simm.s32 $_scs_section_size  }
0xa0: {  	s5 =	simm.s32 $_size__tile_overlayer_lowered;
	s6 =	simm.s32 $_tile_overlayer_lowered  }
0xa1: {  	s22 =	simm.s32 $0x1BFF;
	s21 =	sshll.u32 s6, $0x1;
	s3 =	sadd.s32 s19, s18  }
0xa2: {  	s7 =	simm.s32 $0x0;
	s20 =	sshll.u32 s5, $0x1;
	s5 =	sadd.s32 s21, s3  }
0xa3: {  	[timem:s7], [sflag:s22] =	dma.local [hbm:s5], s20  }
0xa4: {  	_ =	swait.ge [sflag:s22], s20  }
0xa5: {  	s4 =	ssub.s32 $0x0, s20;
	[sflag:s22] =	ssyncset.done $0x0  }
0xa6: {  	[sflag:s22] =	ssyncadd.s32 s4;
	_ =	sdelay $0x1  }
0xa7: {  	s23 =	simm.s32 $0x1B8B  }
0xa8: {  	_ =	swait.ge [sflag:s23], $0x1  }
0xa9: {  	[sflag:s23] =	ssyncset.done $0x0  }
0xaa: {  	s25 =	simm.s32 $0x1B8E;
	s24 =	sld [smem:$0x3FFE];
	[sflag:s23] =	ssyncadd.s32 $0xFFFFFFFF  }
0xab: {  	s26 =	simm.s32 $execute0_lowered;
	[smem:$0x3FD2] =	sst s25  }
0xac: {  	s5 =	sshll.u32 s26, $0x1;
	_ =	strace $0x80000046;
	[dreg:$0x1] =	wrdreg $0xFFFFFFFF  }
0xad: {  	s28 =	simm.s32 $_size_execute0_lowered;
	s3 =	sadd.s32 s3, s5;
	[dreg:$0x0] =	wrdreg $0x0  }
0xae: {  	s5 =	sshll.u32 s28, $0x1;
	[dreg:$0x2] =	wrdreg s3  }
0xaf: {  	[dreg:$0x3] =	wrdreg s5  }
0xb0: {  	[dreg:$0x4] =	wrdreg $0xC0  }
0xb1: {  	_ =	task [dreg:s7], $0x5FFFF  }
0xb2: {  	[dreg:$0x1] =	wrdreg $0xFFFFFFFF  }
0xb3: {  	[dreg:$0x0] =	wrdreg $0x60  }
0xb4: {  	[dreg:$0x2] =	wrdreg s16  }
0xb5: {  	[dreg:$0x3] =	wrdreg s24  }
0xb6: {  	[dreg:$0x4] =	wrdreg $0x9  }
0xb7: {  	_ =	task.clear_ibuf [dreg:s7], $0x5FFFF;
	_ =	strace $0x90000046  }
0xb8: {  	s29 =	simm.s32 $0x9;
	_ =	strace $0x80000048  }
0xb9: {  	_ =	swait.ge [sflag:s29], $0x1  }
0xba: {  	[sflag:s29] =	ssyncadd.s32 $0xFFFFFFFF  }
0xbb: {  	_ =	strace $0x90000048  }
0xbc: {  	_ =	sfence  }
0xbd: {  	s30 =	sld [smem:$0x0];
	_ =	sdelay $0x2  }
0xbe: {  	s31 =	sshll.u32 s1, $0xD;
	s1 =	sshrl.u32 s1, $0x2  }
0xbf: {  	s3 =	sand.u32 $0x4000, s31;
	s1 =	sadd.s32 s1, s30  }
0xc0: {  	s0 =	sor.u32 s3, s0;
	s1 =	sshll.u32 s1, $0x11  }
0xc1: {  	s0 =	sor.u32 s1, s0  }
0xc2: {  	s0 =	sadd.s32 $0x8F2B, s0  }
0xc3: {  	[sflag:s0] =	ssyncadd.remote.s32 $0x1  }
0xc4: {  	_ =	sfence.sel $0xFFFF  }
0xc5: {  	[dreg:$0x0] =	wrdreg $0xFFFFFFFF;
	(pc) =	sbr.abs _section_cstart, $3  }
0xc6: {  	[dreg:$0x1] =	wrdreg $0xFFFFFFFF  }
0xc7: {  	_ =	task.clear_ibuf [dreg:s7], $0x2FFFF;
	_ =	strace $0x9FFFFFFF  }
0xc8: {  	(tm) =	ssettm $0x7FFFFFFF  }
0xc9: {  	_ =	shalt  }
tec
execute0_lowered:
.L_overlay_start_1:
0x0: {  	(tag) =	ssettag $0x1  }
0x1: {  	s1 =	rddreg [dreg:$0x0]  }
0x2: {  	s5 =	rddreg [dreg:$0x1]  }
0x3: {  	s0 =	rddreg [dreg:$0x2];
	s3 =	simm.s32 $0x0  }
0x4: {  	s4 =	srdreg.scid;
	s2 =	stileid.u32;
	s10 =	simm.s32 $0x2100  }
0x5: {  	s11 =	simm.s32 $0x80;
	s12 =	simm.s32 $0x100;
	s13 =	simm.s32 $0x1  }
0x6: {  	s14 =	simm.s32 $0x1100;
	s6 =	sand.u32 $0x1, s4;
	s7 =	sshll.u32 s2, $0x1  }
0x7: {  	[smem:$0x7FF] =	sst s3;
	s4 =	sadd.s32 $0x400, s5;
	s7 =	sor.u32 s6, s7  }
0x8: {  	_ =	strace $0x80000047;
	s6 =	ssub.s32 $0x2, s6;
	s8 =	sshll.u32 s7, $0xA  }
0x9: {  	s9 =	sshrl.u32 s6, $0x1;
	s7 =	sshll.u32 s7, $0x5;
	s8 =	sadd.s32 s8, s5  }
0xa: {  	s9 =	ssub.s32 s6, s9;
	s5 =	sadd.s32 s5, s7;
	s6 =	sadd.s32 $0x800, s8  }
0xb: {  	v0 =	vimm.f32 $1.000000000e+00;
	s7 =	sadd.s32 $0x8800, s8;
	s8 =	smax.u32 s9, $0x1;
	s9 =	simm.s32 $0x2  }
.LBB2_1:
0xc: {  	[tilespmem:s3], [sflag:$0x2] =	stream.linear.gather [hbm4b:s5+s3], $0x100, $0x38;
	[tilespmem:$0x4100] =	vst v63  }
0xd: {  	_ =	swait.ge [sflag:s9], $0x100  }
0xe: {  	[sflag:s9] =	ssyncset.done $0x0  }
0xf: {  	[sflag:s9] =	ssyncadd.s32 $0xFFFFFF00  }
0x10: {  	[tilespmem:s10], [sflag:$0x2] =	stream.linear.gather [hbm4b:s4+s3], $0x2000, $0x38;
	[tilespmem:$0x4100] =	vst v63  }
0x11: {  	_ =	swait.ge [sflag:s9], $0x2000  }
0x12: {  	[sflag:s9] =	ssyncset.done $0x0  }
0x13: {  	[sflag:s9] =	ssyncadd.s32 $0xFFFFE000  }
0x14: {  	[tilespmem:s12], [sflag:$0x1] =	stream.indirect.gather [hbm4b:s1+s11], $0x20, s3, s11, $0xb8;
	[tilespmem:$0x4100] =	vst v63  }
0x15: {  	_ =	swait.ge [sflag:s13], $0x1000  }
0x16: {  	[sflag:s13] =	ssyncset.done $0x0  }
0x17: {  	[sflag:s13] =	ssyncadd.s32 $0xFFFFF000  }
0x18: {  	[tilespmem:s14], [sflag:$0x1] =	stream.indirect.gather [hbm4b:s1+s11], $0x20, s11, s11, $0xb8;
	[tilespmem:$0x4100] =	vst v63  }
0x19: {  	_ =	swait.ge [sflag:s13], $0x1000  }
0x1a: {  	[sflag:s13] =	ssyncset.done $0x0  }
0x1b: {  	[sflag:s13] =	ssyncadd.s32 $0xFFFFF000  }
0x1c: {  	v1 =	vld [tilespmem:$0x0];
	_ =	sdelay $0x7  }
0x1d: {  	[tilespmem:v1+s10+$0x0] =	vst.idx.add.f32.msk $0xffff, v0  }
0x1e: {  	v1 =	vld [tilespmem:$0x10];
	_ =	sdelay $0x7  }
0x1f: {  	[tilespmem:v1+s10+$0x0] =	vst.idx.add.f32.msk $0xffff, v0  }
0x20: {  	v1 =	vld [tilespmem:$0x20];
	_ =	sdelay $0x7  }
0x21: {  	[tilespmem:v1+s10+$0x0] =	vst.idx.add.f32.msk $0xffff, v0  }
0x22: {  	v1 =	vld [tilespmem:$0x30];
	_ =	sdelay $0x7  }
0x23: {  	[tilespmem:v1+s10+$0x0] =	vst.idx.add.f32.msk $0xffff, v0  }
0x24: {  	v1 =	vld [tilespmem:$0x40];
	_ =	sdelay $0x7  }
0x25: {  	[tilespmem:v1+s10+$0x0] =	vst.idx.add.f32.msk $0xffff, v0  }
0x26: {  	v1 =	vld [tilespmem:$0x50];
	_ =	sdelay $0x7  }
0x27: {  	[tilespmem:v1+s10+$0x0] =	vst.idx.add.f32.msk $0xffff, v0  }
0x28: {  	v1 =	vld [tilespmem:$0x60];
	_ =	sdelay $0x7  }
0x29: {  	[tilespmem:v1+s10+$0x0] =	vst.idx.add.f32.msk $0xffff, v0  }
0x2a: {  	v1 =	vld [tilespmem:$0x70];
	_ =	sdelay $0x7  }
0x2b: {  	[tilespmem:v1+s10+$0x0] =	vst.idx.add.f32.msk $0xffff, v0  }
0x2c: {  	v1 =	vld [tilespmem:$0x80];
	_ =	sdelay $0x7  }
0x2d: {  	[tilespmem:v1+s10+$0x0] =	vst.idx.add.f32.msk $0xffff, v0  }
0x2e: {  	v1 =	vld [tilespmem:$0x90];
	_ =	sdelay $0x7  }
0x2f: {  	[tilespmem:v1+s10+$0x0] =	vst.idx.add.f32.msk $0xffff, v0  }
0x30: {  	v1 =	vld [tilespmem:$0xA0];
	_ =	sdelay $0x7  }
0x31: {  	[tilespmem:v1+s10+$0x0] =	vst.idx.add.f32.msk $0xffff, v0  }
0x32: {  	v1 =	vld [tilespmem:$0xB0];
	_ =	sdelay $0x7  }
0x33: {  	[tilespmem:v1+s10+$0x0] =	vst.idx.add.f32.msk $0xffff, v0  }
0x34: {  	v1 =	vld [tilespmem:$0xC0];
	_ =	sdelay $0x7  }
0x35: {  	[tilespmem:v1+s10+$0x0] =	vst.idx.add.f32.msk $0xffff, v0  }
0x36: {  	v1 =	vld [tilespmem:$0xD0];
	_ =	sdelay $0x7  }
0x37: {  	[tilespmem:v1+s10+$0x0] =	vst.idx.add.f32.msk $0xffff, v0  }
0x38: {  	v1 =	vld [tilespmem:$0xE0];
	_ =	sdelay $0x7  }
0x39: {  	[tilespmem:v1+s10+$0x0] =	vst.idx.add.f32.msk $0xffff, v0  }
0x3a: {  	v1 =	vld [tilespmem:$0xF0];
	_ =	sdelay $0x7  }
0x3b: {  	[tilespmem:v1+s10+$0x0] =	vst.idx.add.f32.msk $0xffff, v0  }
0x3c: {  	[hbm4b:s6+s3] =	stream.linear.scatter [tilespmem:s12], [sflag:$0x2], $0x2000, $0x38;
	[tilespmem:$0x4100] =	vst v63  }
0x3d: {  	_ =	swait.ge [sflag:s9], $0x2000  }
0x3e: {  	p0 =	sne.s32 s8, $0x1;
	[sflag:s9] =	ssyncset.done $0x0  }
.Ltmp0:
0x3f: {  	[sflag:s9] =	ssyncadd.s32 $0xFFFFE000;
	(pc) =	sbr.rel @p0 .LBB2_1-.Ltmp0, $4  }
0x40: {  	[hbm4b:s7+s3] =	stream.linear.scatter [tilespmem:s10], [sflag:$0x2], $0x2000, $0x38;
	[tilespmem:$0x4100] =	vst v63  }
0x41: {  	_ =	swait.ge [sflag:s9], $0x2000  }
0x42: {  	[sflag:s9] =	ssyncset.done $0x0  }
0x43: {  	s8 =	sadd.s32 $0xFFFFFFFF, s8;
	[sflag:s9] =	ssyncadd.s32 $0xFFFFE000  }
0x44: {  	_ =	sfence.sel $0x180000  }
0x45: {  	[bflag:$0x0] =	sbarrier.arrive $0xFFFF  }
0x46: {  	p0 =	sne.s32 s2, $0x0;
	_ =	strace $0x90000047  }
0x47: {  	s0 =	sadd.s32 @!p0 $0x100000, s0;
	[bflag:$0x2] =	sbarrier.arrive $0xFFFF  }
0x48: {  	[sflag:s0] =	ssyncadd.tile.s32 @!p0 $0x1;
	_ =	shalt  }
.Lfunc_end2:
_tile_overlayer_lowered:
.L_overlay_start_2:
0x49: {  	(tag) =	ssettag $0x2  }
0x4a: {  	s0 =	rddreg [dreg:$0x0];
	s2 =	stileid.u32  }
0x4b: {  	s1 =	rddreg [dreg:$0x1];
	p0 =	sne.s32 s2, $0x0  }
0x4c: {  	s3 =	rddreg [dreg:$0x2];
	[bflag:$0x3] =	sbarrier.arrive $0xFFFF;
	s2 =	simm.s32 @!p0 $0x1C02  }
0x4d: {  	[timem:s3], [sflag:s2] =	dma.local @!p0 [hbm:s0], s1  }
0x4e: {  	s0 =	simm.s32 @!p0 $0x2  }
0x4f: {  	_ =	swait.ge @!p0 [sflag:s0], s1  }
0x50: {  	s1 =	ssub.s32 @!p0 $0x0, s1;
	[sflag:s0] =	ssyncset.done @!p0 $0x0  }
0x51: {  	[sflag:s0] =	ssyncadd.s32 @!p0 s1  }
0x52: {  	[bflag:$0x3] =	sbarrier.arrive $0xFFFF  }
0x53: {  	_ =	shalt  }

</sc_bundles>
